<compile_context>
chip_gen: v7x
topology: tpu7x:2x2x1
jax: 0.10.2.dev20260603
libtpu: 0.0.44.dev20260713+nightly
codegen_flags: <defaults>
</compile_context>

<pallas_src>
import functools

import jax
import jax.numpy as jnp
from jax import lax
from jax.experimental import pallas as pl
from jax.experimental.pallas import tpu as pltpu
from jax.experimental.pallas import tpu_sc as plsc

N_ENT = 100000
D_IN = 128
D_OUT = 256
D_REL = 128
B = 16384

ROW_BLK = 10000
SUB_BLK = 2048

NC = 2
NS = 16
NW = NC * NS
BPW = B // NW
CH = 128
NCH = BPW // CH


def _mm_body(a_ref, w_ref, b_ref, o_ref):
    acc = jnp.dot(a_ref[...], w_ref[...], preferred_element_type=jnp.float32)
    o_ref[...] = jnp.tanh(acc + b_ref[...])


def _project(x, pca_weight, bias2d, row_blk, n=None):
    if n is None:
        n = x.shape[0]
    return pl.pallas_call(
        _mm_body,
        grid=(n // row_blk,),
        in_specs=[
            pl.BlockSpec((row_blk, D_IN), lambda i: (i, 0)),
            pl.BlockSpec((D_IN, D_OUT), lambda i: (0, 0)),
            pl.BlockSpec((1, D_OUT), lambda i: (0, 0)),
        ],
        out_specs=pl.BlockSpec((row_blk, D_OUT), lambda i: (i, 0)),
        out_shape=jax.ShapeDtypeStruct((n, D_OUT), jnp.float32),
    )(x, pca_weight, bias2d)


def _mm_ilv_body(a_ref, w_ref, b_ref, o_ref):
    h = jnp.tanh(jnp.dot(a_ref[...], w_ref[...],
                         preferred_element_type=jnp.float32) + b_ref[...])
    o_ref[...] = h.reshape(h.shape[0] * 2, D_OUT // 2)


def _project_ilv(x, pca_weight, bias2d, row_blk):
    n = x.shape[0]
    return pl.pallas_call(
        _mm_ilv_body,
        grid=(n // row_blk,),
        in_specs=[
            pl.BlockSpec((row_blk, D_IN), lambda i: (i, 0)),
            pl.BlockSpec((D_IN, D_OUT), lambda i: (0, 0)),
            pl.BlockSpec((1, D_OUT), lambda i: (0, 0)),
        ],
        out_specs=pl.BlockSpec((2 * row_blk, D_OUT // 2), lambda i: (i, 0)),
        out_shape=jax.ShapeDtypeStruct((2 * n, D_OUT // 2), jnp.float32),
        compiler_params=pltpu.CompilerParams(
            vmem_limit_bytes=100 * 1024 * 1024),
    )(x, pca_weight, bias2d)


_sc_mesh = plsc.VectorSubcoreMesh(core_axis_name="c", subcore_axis_name="s")


@functools.partial(
    pl.kernel,
    out_type=(jax.ShapeDtypeStruct((B, D_IN), jnp.float32),
              jax.ShapeDtypeStruct((B, D_REL), jnp.float32)),
    mesh=_sc_mesh,
    scratch_types=[
        pltpu.VMEM((BPW,), jnp.int32),
        pltpu.VMEM((BPW,), jnp.int32),
        pltpu.VMEM((BPW, D_IN), jnp.float32),
        pltpu.VMEM((2 * CH, D_REL), jnp.float32),
        pltpu.SemaphoreType.DMA,
        pltpu.SemaphoreType.DMA,
    ],
)
def _sc_gather_inputs(embt_hbm, sub_hbm, relt_hbm, rel_hbm,
                      ge_out, rel_out, sidx, ridx, gbuf, rbuf, gsem, rsem):
    wid = lax.axis_index("s") * NC + lax.axis_index("c")
    base = wid * BPW
    pltpu.sync_copy(sub_hbm.at[pl.ds(base, BPW)], sidx)
    pltpu.sync_copy(rel_hbm.at[pl.ds(base, BPW)], ridx)
    ge_cps = []
    for c in range(NCH):
        ge_cps.append(pltpu.async_copy(
            embt_hbm.at[sidx.at[pl.ds(c * CH, CH)]],
            gbuf.at[pl.ds(c * CH, CH)], gsem))
    for r in range(2):
        cps = []
        for c in range(2):
            cps.append(pltpu.async_copy(
                relt_hbm.at[ridx.at[pl.ds((2 * r + c) * CH, CH)]],
                rbuf.at[pl.ds(c * CH, CH)], rsem))
        for cp in cps:
            cp.wait()
        pltpu.sync_copy(rbuf, rel_out.at[pl.ds(base + 2 * r * CH, 2 * CH)])
    for cp in ge_cps:
        cp.wait()
    pltpu.sync_copy(gbuf, ge_out.at[pl.ds(base, BPW)])


def kernel(sub, rel, init_embed, init_rel, pca_weight, pca_bias):
    bias2d = pca_bias.reshape(1, D_OUT)
    ge, rel_emb = _sc_gather_inputs(init_embed, sub.astype(jnp.int32),
                                    init_rel, rel.astype(jnp.int32))
    y = _project_ilv(init_embed, pca_weight, bias2d, ROW_BLK)
    sub_emb = _project(ge, pca_weight, bias2d, SUB_BLK)
    return sub_emb, rel_emb, y.reshape(N_ENT, 2, D_OUT // 2)

# --- scband reference (transcript-rebuilt; emitter-appended) ---
"""Pipeline reference for scband-capsule-base-23167053594863 (READ-ONLY COPY).

The authoritative reference and input builder live on the scoring server;
editing this copy changes nothing except your own understanding.
"""

import jax, jax.numpy as jnp
import numpy as np

NUM_ENT = 100000
INIT_DIM = 128
GCN_DIM = 128
NUM_FACTORS = 2
NUM_REL = 100
BATCH = 16384


def setup_inputs(seed: int = 0) -> dict:
    key = jax.random.key(seed)
    k1, k2, k3, k4, k5, k6 = jax.random.split(key, 6)
    sub = jax.random.randint(k1, (BATCH,), 0, NUM_ENT)
    rel = jax.random.randint(k2, (BATCH,), 0, 2 * NUM_REL)
    init_embed = jax.random.normal(k3, (NUM_ENT, INIT_DIM), dtype=jnp.float32) * 0.1
    init_rel = jax.random.normal(k4, (2 * NUM_REL, GCN_DIM), dtype=jnp.float32) * 0.1
    stdv = 1.0 / np.sqrt(NUM_FACTORS * GCN_DIM)
    pca_weight = jax.random.uniform(k5, (INIT_DIM, NUM_FACTORS * GCN_DIM), minval=-stdv, maxval=stdv, dtype=jnp.float32)
    pca_bias = jax.random.uniform(k6, (NUM_FACTORS * GCN_DIM,), minval=-stdv, maxval=stdv, dtype=jnp.float32)
    return {
        'sub': sub,
        'rel': rel,
        'init_embed': init_embed,
        'init_rel': init_rel,
        'pca_weight': pca_weight,
        'pca_bias': pca_bias,
    }


def reference(sub, rel, init_embed, init_rel, pca_weight, pca_bias):
    # forward_base with gcn_layer=0, no_enc=False, eval-mode dropout (identity):
    # x = act(pca(init_embed)).view(-1, num_factors, gcn_dim)
    x = jnp.tanh(jnp.dot(init_embed, pca_weight) + pca_bias)
    x = x.reshape(-1, NUM_FACTORS, GCN_DIM)
    # sub_emb = index_select(x, 0, sub).view(-1, gcn_dim * num_factors)
    sub_emb = jnp.take(x, sub, axis=0).reshape(-1, GCN_DIM * NUM_FACTORS)
    # rel_emb = index_select(init_rel, 0, rel)
    rel_emb = jnp.take(init_rel, rel, axis=0)
    return (sub_emb, rel_emb, x)

if __name__ == "__main__":
    import jax
    _d = setup_inputs()
    print(jax.jit(kernel)(*tuple(_d.values())))

</pallas_src>

<mosaic_0001>
#map = affine_map<(d0, d1) -> (0, 0)>
#map1 = affine_map<(d0, d1) -> (0)>
module attributes {stable_mosaic.version = 14 : i64} {
  func.func @_sc_gather_inputs(%arg0: i32, %arg1: i32, %arg2: memref<100000x128xf32, #tpu.memory_space<hbm>>, %arg3: memref<16384xi32, #tpu.memory_space<hbm>>, %arg4: memref<200x128xf32, #tpu.memory_space<hbm>>, %arg5: memref<16384xi32, #tpu.memory_space<hbm>>, %arg6: memref<16384x128xf32, #tpu.memory_space<hbm>>, %arg7: memref<16384x128xf32, #tpu.memory_space<hbm>>, %arg8: memref<512xi32, #tpu.memory_space<vmem>>, %arg9: memref<512xi32, #tpu.memory_space<vmem>>, %arg10: memref<512x128xf32, #tpu.memory_space<vmem>>, %arg11: memref<256x128xf32, #tpu.memory_space<vmem>>, %arg12: memref<!tpu.dma_semaphore, #tpu.memory_space<semaphore_mem>>, %arg13: memref<!tpu.dma_semaphore, #tpu.memory_space<semaphore_mem>>) attributes {dimension_semantics = [#tpu.dimension_semantics<core_parallel>, #tpu.dimension_semantics<subcore_parallel>], iteration_bounds = array<i64: 2, 16>, scalar_prefetch = 0 : i64, scratch_operands = 6 : i64, tpu.core_type = #tpu.core_type<sc_vector_subcore>, window_params = [{transform_indices = #map}, {transform_indices = #map1}, {transform_indices = #map}, {transform_indices = #map1}, {transform_indices = #map}, {transform_indices = #map}]} {
    %mul3A = arith.constant 2 : i32
    %mul3A_0 = arith.muli %arg1, %mul3A : i32
    %add3A = arith.addi %mul3A_0, %arg0 : i32
    %mul3A_1 = arith.constant 512 : i32
    %mul3A_2 = arith.muli %add3A, %mul3A_1 : i32
    "tpu.region"() ({
      %run_scoped3A = tpu.sem_alloc : memref<!tpu.dma_semaphore, #tpu.memory_space<semaphore_mem>>
      %dma_start3A_133 = tpu.memref_slice %arg3[%mul3A_2] : memref<16384xi32, #tpu.memory_space<hbm>> -> memref<512xi32, #tpu.memory_space<hbm>>
      %dma_start3A_134 = tpu.memref_slice %arg3[%mul3A_2] : memref<16384xi32, #tpu.memory_space<hbm>> -> memref<512xi32, #tpu.memory_space<hbm>>
      tpu.enqueue_dma source(%dma_start3A_134 : memref<512xi32, #tpu.memory_space<hbm>>) target(%arg8 : memref<512xi32, #tpu.memory_space<vmem>>) target_semaphore(%run_scoped3A : memref<!tpu.dma_semaphore, #tpu.memory_space<semaphore_mem>>)
      %dma_wait3A_135 = tpu.memref_slice %arg3[%mul3A_2] : memref<16384xi32, #tpu.memory_space<hbm>> -> memref<512xi32, #tpu.memory_space<hbm>>
      %dma_wait3A_136 = tpu.memref_slice %arg3[%mul3A_2] : memref<16384xi32, #tpu.memory_space<hbm>> -> memref<512xi32, #tpu.memory_space<hbm>>
      tpu.wait_dma2 semaphore(%run_scoped3A : memref<!tpu.dma_semaphore, #tpu.memory_space<semaphore_mem>>) src(%dma_wait3A_136 : memref<512xi32, #tpu.memory_space<hbm>>) dst(%arg8 : memref<512xi32, #tpu.memory_space<vmem>>)
      tpu.yield
    }) : () -> ()
    "tpu.region"() ({
      %run_scoped3A = tpu.sem_alloc : memref<!tpu.dma_semaphore, #tpu.memory_space<semaphore_mem>>
      %dma_start3A_133 = tpu.memref_slice %arg5[%mul3A_2] : memref<16384xi32, #tpu.memory_space<hbm>> -> memref<512xi32, #tpu.memory_space<hbm>>
      %dma_start3A_134 = tpu.memref_slice %arg5[%mul3A_2] : memref<16384xi32, #tpu.memory_space<hbm>> -> memref<512xi32, #tpu.memory_space<hbm>>
      tpu.enqueue_dma source(%dma_start3A_134 : memref<512xi32, #tpu.memory_space<hbm>>) target(%arg9 : memref<512xi32, #tpu.memory_space<vmem>>) target_semaphore(%run_scoped3A : memref<!tpu.dma_semaphore, #tpu.memory_space<semaphore_mem>>)
      %dma_wait3A_135 = tpu.memref_slice %arg5[%mul3A_2] : memref<16384xi32, #tpu.memory_space<hbm>> -> memref<512xi32, #tpu.memory_space<hbm>>
      %dma_wait3A_136 = tpu.memref_slice %arg5[%mul3A_2] : memref<16384xi32, #tpu.memory_space<hbm>> -> memref<512xi32, #tpu.memory_space<hbm>>
      tpu.wait_dma2 semaphore(%run_scoped3A : memref<!tpu.dma_semaphore, #tpu.memory_space<semaphore_mem>>) src(%dma_wait3A_136 : memref<512xi32, #tpu.memory_space<hbm>>) dst(%arg9 : memref<512xi32, #tpu.memory_space<vmem>>)
      tpu.yield
    }) : () -> ()
    %dma_start3A = arith.constant 0 : i32
    %dma_start3A_3 = arith.constant 0 : i32
    %dma_start3A_4 = tpu.memref_slice %arg10[%dma_start3A, %dma_start3A_3] : memref<512x128xf32, #tpu.memory_space<vmem>> -> memref<128x128xf32, #tpu.memory_space<vmem>>
    %dma_start3A_5 = arith.constant 0 : i32
    %dma_start3A_6 = tpu.memref_slice %arg8[%dma_start3A_5] : memref<512xi32, #tpu.memory_space<vmem>> -> memref<128xi32, #tpu.memory_space<vmem>>
    %dma_start3A_7 = arith.constant 0 : i32
    %dma_start3A_8 = arith.constant 0 : i32
    %dma_start3A_9 = tpu.memref_slice %arg2[%dma_start3A_7, %dma_start3A_8] : memref<100000x128xf32, #tpu.memory_space<hbm>> -> memref<100000x128xf32, #tpu.memory_space<hbm>>
    tpu.enqueue_indirect_dma source(%dma_start3A_9 : memref<100000x128xf32, #tpu.memory_space<hbm>>) target(%dma_start3A_4 : memref<128x128xf32, #tpu.memory_space<vmem>>) offsets(%dma_start3A_6 : memref<128xi32, #tpu.memory_space<vmem>>) semaphore(%arg12 : memref<!tpu.dma_semaphore, #tpu.memory_space<semaphore_mem>>)
    %dma_start3A_10 = arith.constant 128 : i32
    %dma_start3A_11 = arith.constant 0 : i32
    %dma_start3A_12 = tpu.memref_slice %arg10[%dma_start3A_10, %dma_start3A_11] : memref<512x128xf32, #tpu.memory_space<vmem>> -> memref<128x128xf32, #tpu.memory_space<vmem>>
    %dma_start3A_13 = arith.constant 128 : i32
    %dma_start3A_14 = tpu.memref_slice %arg8[%dma_start3A_13] : memref<512xi32, #tpu.memory_space<vmem>> -> memref<128xi32, #tpu.memory_space<vmem>>
    %dma_start3A_15 = arith.constant 0 : i32
    %dma_start3A_16 = arith.constant 0 : i32
    %dma_start3A_17 = tpu.memref_slice %arg2[%dma_start3A_15, %dma_start3A_16] : memref<100000x128xf32, #tpu.memory_space<hbm>> -> memref<100000x128xf32, #tpu.memory_space<hbm>>
    tpu.enqueue_indirect_dma source(%dma_start3A_17 : memref<100000x128xf32, #tpu.memory_space<hbm>>) target(%dma_start3A_12 : memref<128x128xf32, #tpu.memory_space<vmem>>) offsets(%dma_start3A_14 : memref<128xi32, #tpu.memory_space<vmem>>) semaphore(%arg12 : memref<!tpu.dma_semaphore, #tpu.memory_space<semaphore_mem>>)
    %dma_start3A_18 = arith.constant 256 : i32
    %dma_start3A_19 = arith.constant 0 : i32
    %dma_start3A_20 = tpu.memref_slice %arg10[%dma_start3A_18, %dma_start3A_19] : memref<512x128xf32, #tpu.memory_space<vmem>> -> memref<128x128xf32, #tpu.memory_space<vmem>>
    %dma_start3A_21 = arith.constant 256 : i32
    %dma_start3A_22 = tpu.memref_slice %arg8[%dma_start3A_21] : memref<512xi32, #tpu.memory_space<vmem>> -> memref<128xi32, #tpu.memory_space<vmem>>
    %dma_start3A_23 = arith.constant 0 : i32
    %dma_start3A_24 = arith.constant 0 : i32
    %dma_start3A_25 = tpu.memref_slice %arg2[%dma_start3A_23, %dma_start3A_24] : memref<100000x128xf32, #tpu.memory_space<hbm>> -> memref<100000x128xf32, #tpu.memory_space<hbm>>
    tpu.enqueue_indirect_dma source(%dma_start3A_25 : memref<100000x128xf32, #tpu.memory_space<hbm>>) target(%dma_start3A_20 : memref<128x128xf32, #tpu.memory_space<vmem>>) offsets(%dma_start3A_22 : memref<128xi32, #tpu.memory_space<vmem>>) semaphore(%arg12 : memref<!tpu.dma_semaphore, #tpu.memory_space<semaphore_mem>>)
    %dma_start3A_26 = arith.constant 384 : i32
    %dma_start3A_27 = arith.constant 0 : i32
    %dma_start3A_28 = tpu.memref_slice %arg10[%dma_start3A_26, %dma_start3A_27] : memref<512x128xf32, #tpu.memory_space<vmem>> -> memref<128x128xf32, #tpu.memory_space<vmem>>
    %dma_start3A_29 = arith.constant 384 : i32
    %dma_start3A_30 = tpu.memref_slice %arg8[%dma_start3A_29] : memref<512xi32, #tpu.memory_space<vmem>> -> memref<128xi32, #tpu.memory_space<vmem>>
    %dma_start3A_31 = arith.constant 0 : i32
    %dma_start3A_32 = arith.constant 0 : i32
    %dma_start3A_33 = tpu.memref_slice %arg2[%dma_start3A_31, %dma_start3A_32] : memref<100000x128xf32, #tpu.memory_space<hbm>> -> memref<100000x128xf32, #tpu.memory_space<hbm>>
    tpu.enqueue_indirect_dma source(%dma_start3A_33 : memref<100000x128xf32, #tpu.memory_space<hbm>>) target(%dma_start3A_28 : memref<128x128xf32, #tpu.memory_space<vmem>>) offsets(%dma_start3A_30 : memref<128xi32, #tpu.memory_space<vmem>>) semaphore(%arg12 : memref<!tpu.dma_semaphore, #tpu.memory_space<semaphore_mem>>)
    %dma_start3A_34 = arith.constant 0 : i32
    %dma_start3A_35 = arith.constant 0 : i32
    %dma_start3A_36 = tpu.memref_slice %arg11[%dma_start3A_34, %dma_start3A_35] : memref<256x128xf32, #tpu.memory_space<vmem>> -> memref<128x128xf32, #tpu.memory_space<vmem>>
    %dma_start3A_37 = arith.constant 0 : i32
    %dma_start3A_38 = tpu.memref_slice %arg9[%dma_start3A_37] : memref<512xi32, #tpu.memory_space<vmem>> -> memref<128xi32, #tpu.memory_space<vmem>>
    %dma_start3A_39 = arith.constant 0 : i32
    %dma_start3A_40 = arith.constant 0 : i32
    %dma_start3A_41 = tpu.memref_slice %arg4[%dma_start3A_39, %dma_start3A_40] : memref<200x128xf32, #tpu.memory_space<hbm>> -> memref<200x128xf32, #tpu.memory_space<hbm>>
    tpu.enqueue_indirect_dma source(%dma_start3A_41 : memref<200x128xf32, #tpu.memory_space<hbm>>) target(%dma_start3A_36 : memref<128x128xf32, #tpu.memory_space<vmem>>) offsets(%dma_start3A_38 : memref<128xi32, #tpu.memory_space<vmem>>) semaphore(%arg13 : memref<!tpu.dma_semaphore, #tpu.memory_space<semaphore_mem>>)
    %dma_start3A_42 = arith.constant 128 : i32
    %dma_start3A_43 = arith.constant 0 : i32
    %dma_start3A_44 = tpu.memref_slice %arg11[%dma_start3A_42, %dma_start3A_43] : memref<256x128xf32, #tpu.memory_space<vmem>> -> memref<128x128xf32, #tpu.memory_space<vmem>>
    %dma_start3A_45 = arith.constant 128 : i32
    %dma_start3A_46 = tpu.memref_slice %arg9[%dma_start3A_45] : memref<512xi32, #tpu.memory_space<vmem>> -> memref<128xi32, #tpu.memory_space<vmem>>
    %dma_start3A_47 = arith.constant 0 : i32
    %dma_start3A_48 = arith.constant 0 : i32
    %dma_start3A_49 = tpu.memref_slice %arg4[%dma_start3A_47, %dma_start3A_48] : memref<200x128xf32, #tpu.memory_space<hbm>> -> memref<200x128xf32, #tpu.memory_space<hbm>>
    tpu.enqueue_indirect_dma source(%dma_start3A_49 : memref<200x128xf32, #tpu.memory_space<hbm>>) target(%dma_start3A_44 : memref<128x128xf32, #tpu.memory_space<vmem>>) offsets(%dma_start3A_46 : memref<128xi32, #tpu.memory_space<vmem>>) semaphore(%arg13 : memref<!tpu.dma_semaphore, #tpu.memory_space<semaphore_mem>>)
    %dma_wait3A = arith.constant 0 : i32
    %dma_wait3A_50 = arith.constant 0 : i32
    %dma_wait3A_51 = tpu.memref_slice %arg11[%dma_wait3A, %dma_wait3A_50] : memref<256x128xf32, #tpu.memory_space<vmem>> -> memref<128x128xf32, #tpu.memory_space<vmem>>
    %dma_wait3A_52 = arith.constant 0 : i32
    %dma_wait3A_53 = tpu.memref_slice %arg9[%dma_wait3A_52] : memref<512xi32, #tpu.memory_space<vmem>> -> memref<128xi32, #tpu.memory_space<vmem>>
    %dma_wait3A_54 = arith.constant 0 : i32
    %dma_wait3A_55 = arith.constant 0 : i32
    %dma_wait3A_56 = tpu.memref_slice %arg4[%dma_wait3A_54, %dma_wait3A_55] : memref<200x128xf32, #tpu.memory_space<hbm>> -> memref<200x128xf32, #tpu.memory_space<hbm>>
    tpu.wait_indirect_dma semaphore(%arg13 : memref<!tpu.dma_semaphore, #tpu.memory_space<semaphore_mem>>) src(%dma_wait3A_56 : memref<200x128xf32, #tpu.memory_space<hbm>>) dst(%dma_wait3A_51 : memref<128x128xf32, #tpu.memory_space<vmem>>)
    %dma_wait3A_57 = arith.constant 128 : i32
    %dma_wait3A_58 = arith.constant 0 : i32
    %dma_wait3A_59 = tpu.memref_slice %arg11[%dma_wait3A_57, %dma_wait3A_58] : memref<256x128xf32, #tpu.memory_space<vmem>> -> memref<128x128xf32, #tpu.memory_space<vmem>>
    %dma_wait3A_60 = arith.constant 128 : i32
    %dma_wait3A_61 = tpu.memref_slice %arg9[%dma_wait3A_60] : memref<512xi32, #tpu.memory_space<vmem>> -> memref<128xi32, #tpu.memory_space<vmem>>
    %dma_wait3A_62 = arith.constant 0 : i32
    %dma_wait3A_63 = arith.constant 0 : i32
    %dma_wait3A_64 = tpu.memref_slice %arg4[%dma_wait3A_62, %dma_wait3A_63] : memref<200x128xf32, #tpu.memory_space<hbm>> -> memref<200x128xf32, #tpu.memory_space<hbm>>
    tpu.wait_indirect_dma semaphore(%arg13 : memref<!tpu.dma_semaphore, #tpu.memory_space<semaphore_mem>>) src(%dma_wait3A_64 : memref<200x128xf32, #tpu.memory_space<hbm>>) dst(%dma_wait3A_59 : memref<128x128xf32, #tpu.memory_space<vmem>>)
    %add3A_65 = arith.constant 0 : i32
    %add3A_66 = arith.addi %mul3A_2, %add3A_65 : i32
    "tpu.region"() ({
      %run_scoped3A = tpu.sem_alloc : memref<!tpu.dma_semaphore, #tpu.memory_space<semaphore_mem>>
      %dma_start3A_133 = arith.constant 0 : i32
      %dma_start3A_134 = tpu.memref_slice %arg7[%add3A_66, %dma_start3A_133] : memref<16384x128xf32, #tpu.memory_space<hbm>> -> memref<256x128xf32, #tpu.memory_space<hbm>>
      %dma_start3A_135 = arith.constant 0 : i32
      %dma_start3A_136 = tpu.memref_slice %arg7[%add3A_66, %dma_start3A_135] : memref<16384x128xf32, #tpu.memory_space<hbm>> -> memref<256x128xf32, #tpu.memory_space<hbm>>
      tpu.enqueue_dma source(%arg11 : memref<256x128xf32, #tpu.memory_space<vmem>>) target(%dma_start3A_136 : memref<256x128xf32, #tpu.memory_space<hbm>>) target_semaphore(%run_scoped3A : memref<!tpu.dma_semaphore, #tpu.memory_space<semaphore_mem>>)
      %dma_wait3A_137 = arith.constant 0 : i32
      %dma_wait3A_138 = tpu.memref_slice %arg7[%add3A_66, %dma_wait3A_137] : memref<16384x128xf32, #tpu.memory_space<hbm>> -> memref<256x128xf32, #tpu.memory_space<hbm>>
      %dma_wait3A_139 = arith.constant 0 : i32
      %dma_wait3A_140 = tpu.memref_slice %arg7[%add3A_66, %dma_wait3A_139] : memref<16384x128xf32, #tpu.memory_space<hbm>> -> memref<256x128xf32, #tpu.memory_space<hbm>>
      tpu.wait_dma2 semaphore(%run_scoped3A : memref<!tpu.dma_semaphore, #tpu.memory_space<semaphore_mem>>) src(%arg11 : memref<256x128xf32, #tpu.memory_space<vmem>>) dst(%dma_wait3A_140 : memref<256x128xf32, #tpu.memory_space<hbm>>)
      tpu.yield
    }) : () -> ()
    %dma_start3A_67 = arith.constant 0 : i32
    %dma_start3A_68 = arith.constant 0 : i32
    %dma_start3A_69 = tpu.memref_slice %arg11[%dma_start3A_67, %dma_start3A_68] : memref<256x128xf32, #tpu.memory_space<vmem>> -> memref<128x128xf32, #tpu.memory_space<vmem>>
    %dma_start3A_70 = arith.constant 256 : i32
    %dma_start3A_71 = tpu.memref_slice %arg9[%dma_start3A_70] : memref<512xi32, #tpu.memory_space<vmem>> -> memref<128xi32, #tpu.memory_space<vmem>>
    %dma_start3A_72 = arith.constant 0 : i32
    %dma_start3A_73 = arith.constant 0 : i32
    %dma_start3A_74 = tpu.memref_slice %arg4[%dma_start3A_72, %dma_start3A_73] : memref<200x128xf32, #tpu.memory_space<hbm>> -> memref<200x128xf32, #tpu.memory_space<hbm>>
    tpu.enqueue_indirect_dma source(%dma_start3A_74 : memref<200x128xf32, #tpu.memory_space<hbm>>) target(%dma_start3A_69 : memref<128x128xf32, #tpu.memory_space<vmem>>) offsets(%dma_start3A_71 : memref<128xi32, #tpu.memory_space<vmem>>) semaphore(%arg13 : memref<!tpu.dma_semaphore, #tpu.memory_space<semaphore_mem>>)
    %dma_start3A_75 = arith.constant 128 : i32
    %dma_start3A_76 = arith.constant 0 : i32
    %dma_start3A_77 = tpu.memref_slice %arg11[%dma_start3A_75, %dma_start3A_76] : memref<256x128xf32, #tpu.memory_space<vmem>> -> memref<128x128xf32, #tpu.memory_space<vmem>>
    %dma_start3A_78 = arith.constant 384 : i32
    %dma_start3A_79 = tpu.memref_slice %arg9[%dma_start3A_78] : memref<512xi32, #tpu.memory_space<vmem>> -> memref<128xi32, #tpu.memory_space<vmem>>
    %dma_start3A_80 = arith.constant 0 : i32
    %dma_start3A_81 = arith.constant 0 : i32
    %dma_start3A_82 = tpu.memref_slice %arg4[%dma_start3A_80, %dma_start3A_81] : memref<200x128xf32, #tpu.memory_space<hbm>> -> memref<200x128xf32, #tpu.memory_space<hbm>>
    tpu.enqueue_indirect_dma source(%dma_start3A_82 : memref<200x128xf32, #tpu.memory_space<hbm>>) target(%dma_start3A_77 : memref<128x128xf32, #tpu.memory_space<vmem>>) offsets(%dma_start3A_79 : memref<128xi32, #tpu.memory_space<vmem>>) semaphore(%arg13 : memref<!tpu.dma_semaphore, #tpu.memory_space<semaphore_mem>>)
    %dma_wait3A_83 = arith.constant 0 : i32
    %dma_wait3A_84 = arith.constant 0 : i32
    %dma_wait3A_85 = tpu.memref_slice %arg11[%dma_wait3A_83, %dma_wait3A_84] : memref<256x128xf32, #tpu.memory_space<vmem>> -> memref<128x128xf32, #tpu.memory_space<vmem>>
    %dma_wait3A_86 = arith.constant 256 : i32
    %dma_wait3A_87 = tpu.memref_slice %arg9[%dma_wait3A_86] : memref<512xi32, #tpu.memory_space<vmem>> -> memref<128xi32, #tpu.memory_space<vmem>>
    %dma_wait3A_88 = arith.constant 0 : i32
    %dma_wait3A_89 = arith.constant 0 : i32
    %dma_wait3A_90 = tpu.memref_slice %arg4[%dma_wait3A_88, %dma_wait3A_89] : memref<200x128xf32, #tpu.memory_space<hbm>> -> memref<200x128xf32, #tpu.memory_space<hbm>>
    tpu.wait_indirect_dma semaphore(%arg13 : memref<!tpu.dma_semaphore, #tpu.memory_space<semaphore_mem>>) src(%dma_wait3A_90 : memref<200x128xf32, #tpu.memory_space<hbm>>) dst(%dma_wait3A_85 : memref<128x128xf32, #tpu.memory_space<vmem>>)
    %dma_wait3A_91 = arith.constant 128 : i32
    %dma_wait3A_92 = arith.constant 0 : i32
    %dma_wait3A_93 = tpu.memref_slice %arg11[%dma_wait3A_91, %dma_wait3A_92] : memref<256x128xf32, #tpu.memory_space<vmem>> -> memref<128x128xf32, #tpu.memory_space<vmem>>
    %dma_wait3A_94 = arith.constant 384 : i32
    %dma_wait3A_95 = tpu.memref_slice %arg9[%dma_wait3A_94] : memref<512xi32, #tpu.memory_space<vmem>> -> memref<128xi32, #tpu.memory_space<vmem>>
    %dma_wait3A_96 = arith.constant 0 : i32
    %dma_wait3A_97 = arith.constant 0 : i32
    %dma_wait3A_98 = tpu.memref_slice %arg4[%dma_wait3A_96, %dma_wait3A_97] : memref<200x128xf32, #tpu.memory_space<hbm>> -> memref<200x128xf32, #tpu.memory_space<hbm>>
    tpu.wait_indirect_dma semaphore(%arg13 : memref<!tpu.dma_semaphore, #tpu.memory_space<semaphore_mem>>) src(%dma_wait3A_98 : memref<200x128xf32, #tpu.memory_space<hbm>>) dst(%dma_wait3A_93 : memref<128x128xf32, #tpu.memory_space<vmem>>)
    %add3A_99 = arith.constant 256 : i32
    %add3A_100 = arith.addi %mul3A_2, %add3A_99 : i32
    "tpu.region"() ({
      %run_scoped3A = tpu.sem_alloc : memref<!tpu.dma_semaphore, #tpu.memory_space<semaphore_mem>>
      %dma_start3A_133 = arith.constant 0 : i32
      %dma_start3A_134 = tpu.memref_slice %arg7[%add3A_100, %dma_start3A_133] : memref<16384x128xf32, #tpu.memory_space<hbm>> -> memref<256x128xf32, #tpu.memory_space<hbm>>
      %dma_start3A_135 = arith.constant 0 : i32
      %dma_start3A_136 = tpu.memref_slice %arg7[%add3A_100, %dma_start3A_135] : memref<16384x128xf32, #tpu.memory_space<hbm>> -> memref<256x128xf32, #tpu.memory_space<hbm>>
      tpu.enqueue_dma source(%arg11 : memref<256x128xf32, #tpu.memory_space<vmem>>) target(%dma_start3A_136 : memref<256x128xf32, #tpu.memory_space<hbm>>) target_semaphore(%run_scoped3A : memref<!tpu.dma_semaphore, #tpu.memory_space<semaphore_mem>>)
      %dma_wait3A_137 = arith.constant 0 : i32
      %dma_wait3A_138 = tpu.memref_slice %arg7[%add3A_100, %dma_wait3A_137] : memref<16384x128xf32, #tpu.memory_space<hbm>> -> memref<256x128xf32, #tpu.memory_space<hbm>>
      %dma_wait3A_139 = arith.constant 0 : i32
      %dma_wait3A_140 = tpu.memref_slice %arg7[%add3A_100, %dma_wait3A_139] : memref<16384x128xf32, #tpu.memory_space<hbm>> -> memref<256x128xf32, #tpu.memory_space<hbm>>
      tpu.wait_dma2 semaphore(%run_scoped3A : memref<!tpu.dma_semaphore, #tpu.memory_space<semaphore_mem>>) src(%arg11 : memref<256x128xf32, #tpu.memory_space<vmem>>) dst(%dma_wait3A_140 : memref<256x128xf32, #tpu.memory_space<hbm>>)
      tpu.yield
    }) : () -> ()
    %dma_wait3A_101 = arith.constant 0 : i32
    %dma_wait3A_102 = arith.constant 0 : i32
    %dma_wait3A_103 = tpu.memref_slice %arg10[%dma_wait3A_101, %dma_wait3A_102] : memref<512x128xf32, #tpu.memory_space<vmem>> -> memref<128x128xf32, #tpu.memory_space<vmem>>
    %dma_wait3A_104 = arith.constant 0 : i32
    %dma_wait3A_105 = tpu.memref_slice %arg8[%dma_wait3A_104] : memref<512xi32, #tpu.memory_space<vmem>> -> memref<128xi32, #tpu.memory_space<vmem>>
    %dma_wait3A_106 = arith.constant 0 : i32
    %dma_wait3A_107 = arith.constant 0 : i32
    %dma_wait3A_108 = tpu.memref_slice %arg2[%dma_wait3A_106, %dma_wait3A_107] : memref<100000x128xf32, #tpu.memory_space<hbm>> -> memref<100000x128xf32, #tpu.memory_space<hbm>>
    tpu.wait_indirect_dma semaphore(%arg12 : memref<!tpu.dma_semaphore, #tpu.memory_space<semaphore_mem>>) src(%dma_wait3A_108 : memref<100000x128xf32, #tpu.memory_space<hbm>>) dst(%dma_wait3A_103 : memref<128x128xf32, #tpu.memory_space<vmem>>)
    %dma_wait3A_109 = arith.constant 128 : i32
    %dma_wait3A_110 = arith.constant 0 : i32
    %dma_wait3A_111 = tpu.memref_slice %arg10[%dma_wait3A_109, %dma_wait3A_110] : memref<512x128xf32, #tpu.memory_space<vmem>> -> memref<128x128xf32, #tpu.memory_space<vmem>>
    %dma_wait3A_112 = arith.constant 128 : i32
    %dma_wait3A_113 = tpu.memref_slice %arg8[%dma_wait3A_112] : memref<512xi32, #tpu.memory_space<vmem>> -> memref<128xi32, #tpu.memory_space<vmem>>
    %dma_wait3A_114 = arith.constant 0 : i32
    %dma_wait3A_115 = arith.constant 0 : i32
    %dma_wait3A_116 = tpu.memref_slice %arg2[%dma_wait3A_114, %dma_wait3A_115] : memref<100000x128xf32, #tpu.memory_space<hbm>> -> memref<100000x128xf32, #tpu.memory_space<hbm>>
    tpu.wait_indirect_dma semaphore(%arg12 : memref<!tpu.dma_semaphore, #tpu.memory_space<semaphore_mem>>) src(%dma_wait3A_116 : memref<100000x128xf32, #tpu.memory_space<hbm>>) dst(%dma_wait3A_111 : memref<128x128xf32, #tpu.memory_space<vmem>>)
    %dma_wait3A_117 = arith.constant 256 : i32
    %dma_wait3A_118 = arith.constant 0 : i32
    %dma_wait3A_119 = tpu.memref_slice %arg10[%dma_wait3A_117, %dma_wait3A_118] : memref<512x128xf32, #tpu.memory_space<vmem>> -> memref<128x128xf32, #tpu.memory_space<vmem>>
    %dma_wait3A_120 = arith.constant 256 : i32
    %dma_wait3A_121 = tpu.memref_slice %arg8[%dma_wait3A_120] : memref<512xi32, #tpu.memory_space<vmem>> -> memref<128xi32, #tpu.memory_space<vmem>>
    %dma_wait3A_122 = arith.constant 0 : i32
    %dma_wait3A_123 = arith.constant 0 : i32
    %dma_wait3A_124 = tpu.memref_slice %arg2[%dma_wait3A_122, %dma_wait3A_123] : memref<100000x128xf32, #tpu.memory_space<hbm>> -> memref<100000x128xf32, #tpu.memory_space<hbm>>
    tpu.wait_indirect_dma semaphore(%arg12 : memref<!tpu.dma_semaphore, #tpu.memory_space<semaphore_mem>>) src(%dma_wait3A_124 : memref<100000x128xf32, #tpu.memory_space<hbm>>) dst(%dma_wait3A_119 : memref<128x128xf32, #tpu.memory_space<vmem>>)
    %dma_wait3A_125 = arith.constant 384 : i32
    %dma_wait3A_126 = arith.constant 0 : i32
    %dma_wait3A_127 = tpu.memref_slice %arg10[%dma_wait3A_125, %dma_wait3A_126] : memref<512x128xf32, #tpu.memory_space<vmem>> -> memref<128x128xf32, #tpu.memory_space<vmem>>
    %dma_wait3A_128 = arith.constant 384 : i32
    %dma_wait3A_129 = tpu.memref_slice %arg8[%dma_wait3A_128] : memref<512xi32, #tpu.memory_space<vmem>> -> memref<128xi32, #tpu.memory_space<vmem>>
    %dma_wait3A_130 = arith.constant 0 : i32
    %dma_wait3A_131 = arith.constant 0 : i32
    %dma_wait3A_132 = tpu.memref_slice %arg2[%dma_wait3A_130, %dma_wait3A_131] : memref<100000x128xf32, #tpu.memory_space<hbm>> -> memref<100000x128xf32, #tpu.memory_space<hbm>>
    tpu.wait_indirect_dma semaphore(%arg12 : memref<!tpu.dma_semaphore, #tpu.memory_space<semaphore_mem>>) src(%dma_wait3A_132 : memref<100000x128xf32, #tpu.memory_space<hbm>>) dst(%dma_wait3A_127 : memref<128x128xf32, #tpu.memory_space<vmem>>)
    "tpu.region"() ({
      %run_scoped3A = tpu.sem_alloc : memref<!tpu.dma_semaphore, #tpu.memory_space<semaphore_mem>>
      %dma_start3A_133 = arith.constant 0 : i32
      %dma_start3A_134 = tpu.memref_slice %arg6[%mul3A_2, %dma_start3A_133] : memref<16384x128xf32, #tpu.memory_space<hbm>> -> memref<512x128xf32, #tpu.memory_space<hbm>>
      %dma_start3A_135 = arith.constant 0 : i32
      %dma_start3A_136 = tpu.memref_slice %arg6[%mul3A_2, %dma_start3A_135] : memref<16384x128xf32, #tpu.memory_space<hbm>> -> memref<512x128xf32, #tpu.memory_space<hbm>>
      tpu.enqueue_dma source(%arg10 : memref<512x128xf32, #tpu.memory_space<vmem>>) target(%dma_start3A_136 : memref<512x128xf32, #tpu.memory_space<hbm>>) target_semaphore(%run_scoped3A : memref<!tpu.dma_semaphore, #tpu.memory_space<semaphore_mem>>)
      %dma_wait3A_137 = arith.constant 0 : i32
      %dma_wait3A_138 = tpu.memref_slice %arg6[%mul3A_2, %dma_wait3A_137] : memref<16384x128xf32, #tpu.memory_space<hbm>> -> memref<512x128xf32, #tpu.memory_space<hbm>>
      %dma_wait3A_139 = arith.constant 0 : i32
      %dma_wait3A_140 = tpu.memref_slice %arg6[%mul3A_2, %dma_wait3A_139] : memref<16384x128xf32, #tpu.memory_space<hbm>> -> memref<512x128xf32, #tpu.memory_space<hbm>>
      tpu.wait_dma2 semaphore(%run_scoped3A : memref<!tpu.dma_semaphore, #tpu.memory_space<semaphore_mem>>) src(%arg10 : memref<512x128xf32, #tpu.memory_space<vmem>>) dst(%dma_wait3A_140 : memref<512x128xf32, #tpu.memory_space<hbm>>)
      tpu.yield
    }) : () -> ()
    return
  }
}

module attributes {stable_mosaic.version = 14 : i64} {
  func.func @_mm_ilv_body(%arg0: i32, %arg1: memref<10000x128xf32, #tpu.memory_space<vmem>>, %arg2: memref<128x256xf32, #tpu.memory_space<vmem>>, %arg3: memref<1x256xf32, #tpu.memory_space<vmem>>, %arg4: memref<20000x128xf32, #tpu.memory_space<vmem>>) attributes {dimension_semantics = [#tpu.dimension_semantics<arbitrary>], iteration_bounds = array<i64: 10>, scalar_prefetch = 0 : i64, scratch_operands = 0 : i64, tpu.core_type = #tpu.core_type<tc>, window_params = [{transform_indices = @transform_0, window_bounds = array<i64: 10000, 128>}, {pipeline_mode = #tpu.pipeline_mode<synchronous>, transform_indices = @transform_1, window_bounds = array<i64: 128, 256>}, {pipeline_mode = #tpu.pipeline_mode<synchronous>, transform_indices = @transform_2, window_bounds = array<i64: 1, 256>}, {transform_indices = @transform_3, window_bounds = array<i64: 20000, 128>}]} {
    %get3A = arith.constant 0 : index
    %get3A_0 = arith.constant 0 : index
    %get3A_1 = vector.load %arg1[%get3A, %get3A_0] : memref<10000x128xf32, #tpu.memory_space<vmem>>, vector<10000x128xf32>
    %get3A_2 = arith.constant 0 : index
    %get3A_3 = arith.constant 0 : index
    %get3A_4 = vector.load %arg2[%get3A_2, %get3A_3] : memref<128x256xf32, #tpu.memory_space<vmem>>, vector<128x256xf32>
    %dot_general3A = arith.constant dense<0.000000e+00> : vector<10000x256xf32>
    %dot_general3A_5 = tpu.matmul %get3A_1, %get3A_4, %dot_general3A {dimension_numbers = #tpu.dot_dimension_numbers<[1], [0], [0], [1], [0, 0, 1, 1], [], []>, transpose_lhs_hint = false} : vector<10000x128xf32>, vector<128x256xf32>, vector<10000x256xf32> -> vector<10000x256xf32>
    %get3A_6 = arith.constant 0 : index
    %get3A_7 = arith.constant 0 : index
    %get3A_8 = vector.load %arg3[%get3A_6, %get3A_7] : memref<1x256xf32, #tpu.memory_space<vmem>>, vector<1x256xf32>
    %add3A = vector.broadcast %get3A_8 : vector<1x256xf32> to vector<10000x256xf32>
    %add3A_9 = arith.addf %dot_general3A_5, %add3A : vector<10000x256xf32>
    %tanh3A = math.tanh %add3A_9 : vector<10000x256xf32>
    %reshape3A = vector.shape_cast %tanh3A : vector<10000x256xf32> to vector<20000x128xf32>
    %swap3A = arith.constant 0 : index
    %swap3A_10 = arith.constant 0 : index
    %swap3A_11 = vector.load %arg4[%swap3A, %swap3A_10] : memref<20000x128xf32, #tpu.memory_space<vmem>>, vector<20000x128xf32>
    tpu.vector_store %arg4[%swap3A, %swap3A_10], %reshape3A {strides = array<i32>} : memref<20000x128xf32, #tpu.memory_space<vmem>>, vector<20000x128xf32>,
    return
  }
  func.func @transform_0(%arg0: i32) -> (i32, i32) {
    %c0_i32 = arith.constant 0 : i32
    %c0_i32_0 = arith.constant 0 : i32
    return %arg0, %c0_i32 : i32, i32
  }
  func.func @transform_1(%arg0: i32) -> (i32, i32) {
    %c0_i32 = arith.constant 0 : i32
    %c0_i32_0 = arith.constant 0 : i32
    %c0_i32_1 = arith.constant 0 : i32
    return %c0_i32, %c0_i32_0 : i32, i32
  }
  func.func @transform_2(%arg0: i32) -> (i32, i32) {
    %c0_i32 = arith.constant 0 : i32
    %c0_i32_0 = arith.constant 0 : i32
    %c0_i32_1 = arith.constant 0 : i32
    return %c0_i32, %c0_i32_0 : i32, i32
  }
  func.func @transform_3(%arg0: i32) -> (i32, i32) {
    %c0_i32 = arith.constant 0 : i32
    %c0_i32_0 = arith.constant 0 : i32
    return %arg0, %c0_i32 : i32, i32
  }
}

module attributes {stable_mosaic.version = 14 : i64} {
  func.func @_mm_body(%arg0: i32, %arg1: memref<2048x128xf32, #tpu.memory_space<vmem>>, %arg2: memref<128x256xf32, #tpu.memory_space<vmem>>, %arg3: memref<1x256xf32, #tpu.memory_space<vmem>>, %arg4: memref<2048x256xf32, #tpu.memory_space<vmem>>) attributes {dimension_semantics = [#tpu.dimension_semantics<arbitrary>], iteration_bounds = array<i64: 8>, scalar_prefetch = 0 : i64, scratch_operands = 0 : i64, tpu.core_type = #tpu.core_type<tc>, window_params = [{transform_indices = @transform_0, window_bounds = array<i64: 2048, 128>}, {pipeline_mode = #tpu.pipeline_mode<synchronous>, transform_indices = @transform_1, window_bounds = array<i64: 128, 256>}, {pipeline_mode = #tpu.pipeline_mode<synchronous>, transform_indices = @transform_2, window_bounds = array<i64: 1, 256>}, {transform_indices = @transform_3, window_bounds = array<i64: 2048, 256>}]} {
    %get3A = arith.constant 0 : index
    %get3A_0 = arith.constant 0 : index
    %get3A_1 = vector.load %arg1[%get3A, %get3A_0] : memref<2048x128xf32, #tpu.memory_space<vmem>>, vector<2048x128xf32>
    %get3A_2 = arith.constant 0 : index
    %get3A_3 = arith.constant 0 : index
    %get3A_4 = vector.load %arg2[%get3A_2, %get3A_3] : memref<128x256xf32, #tpu.memory_space<vmem>>, vector<128x256xf32>
    %dot_general3A = arith.constant dense<0.000000e+00> : vector<2048x256xf32>
    %dot_general3A_5 = tpu.matmul %get3A_1, %get3A_4, %dot_general3A {dimension_numbers = #tpu.dot_dimension_numbers<[1], [0], [0], [1], [0, 0, 1, 1], [], []>, transpose_lhs_hint = false} : vector<2048x128xf32>, vector<128x256xf32>, vector<2048x256xf32> -> vector<2048x256xf32>
    %get3A_6 = arith.constant 0 : index
    %get3A_7 = arith.constant 0 : index
    %get3A_8 = vector.load %arg3[%get3A_6, %get3A_7] : memref<1x256xf32, #tpu.memory_space<vmem>>, vector<1x256xf32>
    %add3A = vector.broadcast %get3A_8 : vector<1x256xf32> to vector<2048x256xf32>
    %add3A_9 = arith.addf %dot_general3A_5, %add3A : vector<2048x256xf32>
    %tanh3A = math.tanh %add3A_9 : vector<2048x256xf32>
    %swap3A = arith.constant 0 : index
    %swap3A_10 = arith.constant 0 : index
    %swap3A_11 = vector.load %arg4[%swap3A, %swap3A_10] : memref<2048x256xf32, #tpu.memory_space<vmem>>, vector<2048x256xf32>
    tpu.vector_store %arg4[%swap3A, %swap3A_10], %tanh3A {strides = array<i32>} : memref<2048x256xf32, #tpu.memory_space<vmem>>, vector<2048x256xf32>,
    return
  }
  func.func @transform_0(%arg0: i32) -> (i32, i32) {
    %c0_i32 = arith.constant 0 : i32
    %c0_i32_0 = arith.constant 0 : i32
    return %arg0, %c0_i32 : i32, i32
  }
  func.func @transform_1(%arg0: i32) -> (i32, i32) {
    %c0_i32 = arith.constant 0 : i32
    %c0_i32_0 = arith.constant 0 : i32
    %c0_i32_1 = arith.constant 0 : i32
    return %c0_i32, %c0_i32_0 : i32, i32
  }
  func.func @transform_2(%arg0: i32) -> (i32, i32) {
    %c0_i32 = arith.constant 0 : i32
    %c0_i32_0 = arith.constant 0 : i32
    %c0_i32_1 = arith.constant 0 : i32
    return %c0_i32, %c0_i32_0 : i32, i32
  }
  func.func @transform_3(%arg0: i32) -> (i32, i32) {
    %c0_i32 = arith.constant 0 : i32
    %c0_i32_0 = arith.constant 0 : i32
    return %arg0, %c0_i32 : i32, i32
  }
}

</mosaic_0001>

<sc_bundles>
// kernel: kernel.5.cloned.1.call-start
scs
__scs_entry_jumppad:
0x0: {  	(pc) =	sbr.rel $0x88, $3  }
0x1: {  	(tag) =	ssettag $0x0;
	lr =	simm.s32 $0x1  }
0x2: {  	[smem:$0x3F9B] =	sst lr;
	_ =	strace $0xD0000000  }
0x3: {  	_ = 	snop  }
0x4: {  	_ = 	snop  }
0x5: {  	_ = 	snop  }
0x6: {  	_ = 	snop  }
0x7: {  	_ = 	snop  }
__scs_overlays_trampoline_lowered:
0x8: {  	[smem:$0x3FAA] =	sst s0  }
0x9: {  	[smem:$0x3FAB] =	sst s1  }
0xa: {  	[smem:$0x3FAC] =	sst s2  }
0xb: {  	[smem:$0x3FAD] =	sst s3  }
0xc: {  	[smem:$0x3FAE] =	sst s4  }
0xd: {  	[smem:$0x3FAF] =	sst s5  }
0xe: {  	[smem:$0x3FB0] =	sst s6  }
0xf: {  	[smem:$0x3FB1] =	sst s7  }
0x10: {  	[smem:$0x3FB2] =	sst s8  }
0x11: {  	[smem:$0x3FB3] =	sst s9;
	s0 =	simm.s32 @!p0 $0x0  }
0x12: {  	s1 =	sld [smem:$0x3F99];
	s0 =	simm.s32 @p0 $0x1  }
0x13: {  	[smem:$0x3FB4] =	sst s0;
	s0 =	simm.s32 @!p1 $0x0  }
0x14: {  	s2 =	sld [smem:$0x3F98];
	s0 =	simm.s32 @p1 $0x1  }
0x15: {  	[smem:$0x3FB5] =	sst s0;
	s0 =	simm.s32 @!p2 $0x0  }
0x16: {  	s3 =	sld [smem:$0x3FDB];
	s0 =	simm.s32 @p2 $0x1  }
0x17: {  	s4 =	simm.s32 $0x1BF5;
	[smem:$0x3FB7] =	sst s0  }
0x18: {  	s0 =	sld [smem:$0x3F9A];
	_ =	swait.ge [sflag:s4], $0x0  }
0x19: {  	s7 =	sld [smem:$0x3F9B]  }
0x1a: {  	s8 =	sadd.s32 $0xFFFFE003, lr  }
0x1b: {  	s9 =	sadd.s32 $0xFFFFFEF7, lr;
	s5 =	simm.s32 $0xFFFFFFFF;
	p2 =	slt.u32 s8, $0xFFFFF086  }
0x1c: {  	p1 =	slt.u32 s9, $0xF7A;
	s5 =	simm.s32 @!p2 $0x0  }
0x1d: {  	s5 =	simm.s32 @p1 $0x1;
	p0 =	seq.s32 s7, s2  }
0x1e: {  	s7 =	smul.u32 @!p0 $0xF7A, s2;
	p2 =	seq.s32 @!p0 s5, $0x0  }
0x1f: {  	s9 =	smul.u32 $0xF7A, s1;
	s8 =	simm.s32 @!p0 $0x1BF5;
	p2 =	por !p2, p0  }
0x20: {  	[sflag:s8] =	ssyncset.s32 @!p0 $0xFFFFF086;
	s6 =	sadd.s32 @!p0 s3, s7;
	s7 =	simm.s32 @!p0 $0x108  }
0x21: {  	s3 =	sadd.s32 s3, s9;
	s6 =	sadd.s32 @!p0 $0x88, s6;
	s7 =	simm.s32 @p2 $0x1082  }
0x22: {  	[simem:s7], [sflag:s8] =	dma.local @!p0 [hbm:s6], $0xF7A  }
0x23: {  	s9 =	sor.u32 $0xD0000000, s2;
	s6 =	simm.s32 $0x108;
	_ =	swait.ge @!p0 [sflag:s8], $0x0  }
0x24: {  	s3 =	sadd.s32 $0x88, s3;
	s6 =	simm.s32 @!p1 $0x1082;
	[sflag:s4] =	ssyncset.s32 $0xFFFFF086  }
0x25: {  	[simem:s6], [sflag:s4] =	dma.local [hbm:s3], $0xF7A  }
0x26: {  	[smem:$0x3F9B] =	sst s1;
	(tag) =	ssettag s2;
	_ =	strace s9  }
0x27: {  	s1 =	sld [smem:$0x3FAB]  }
0x28: {  	s2 =	sld [smem:$0x3FAC]  }
0x29: {  	s4 =	sld [smem:$0x3FAE]  }
0x2a: {  	p0 =	seq.s32 s5, $0x0;
	s5 =	sld [smem:$0x3FAF]  }
0x2b: {  	s6 =	sld [smem:$0x3FB0]  }
0x2c: {  	s7 =	sld [smem:$0x3FB1]  }
0x2d: {  	s3 =	simm.s32 $0x108;
	s8 =	sld [smem:$0x3FB2]  }
0x2e: {  	s3 =	simm.s32 @!p0 $0x1082;
	s9 =	sld [smem:$0x3FB3]  }
0x2f: {  	lr =	sadd.s32 s0, s3;
	s0 =	sld [smem:$0x3FAA]  }
0x30: {  	s3 =	sld [smem:$0x3FAD]  }
0x31: {  	[smem:$0x3FB6] =	sst s10  }
0x32: {  	s10 =	sld [smem:$0x3FB4];
	_ =	sdelay $0x3  }
0x33: {  	p0 =	seq.s32 s10, $0x1;
	s10 =	sld [smem:$0x3FB6];
	_ =	sdelay $0x3  }
0x34: {  	[smem:$0x3FB6] =	sst s10  }
0x35: {  	s10 =	sld [smem:$0x3FB5];
	_ =	sdelay $0x3  }
0x36: {  	p1 =	seq.s32 s10, $0x1;
	s10 =	sld [smem:$0x3FB6];
	_ =	sdelay $0x3  }
0x37: {  	[smem:$0x3FB6] =	sst s10  }
0x38: {  	s10 =	sld [smem:$0x3FB7]  }
0x39: {  	_ = 	snop;
	(pc) =	sbr.ind lr, $3  }
0x3a: {  	_ = 	snop  }
0x3b: {  	_ = 	snop  }
0x3c: {  	p2 =	seq.s32 s10, $0x1;
	s10 =	sld [smem:$0x3FB6]  }
0x3d: {  	_ =	shalt  }
0x3e: {  	_ =	shalt  }
0x3f: {  	_ =	shalt  }
0x40: {  	_ =	shalt  }
0x41: {  	_ =	shalt  }
0x42: {  	_ =	shalt  }
0x43: {  	_ =	shalt  }
0x44: {  	_ =	shalt  }
0x45: {  	_ =	shalt  }
0x46: {  	_ =	shalt  }
0x47: {  	_ =	shalt  }
0x48: {  	_ =	shalt  }
0x49: {  	_ =	shalt  }
0x4a: {  	_ =	shalt  }
0x4b: {  	_ =	shalt  }
0x4c: {  	_ =	shalt  }
0x4d: {  	_ =	shalt  }
0x4e: {  	_ =	shalt  }
0x4f: {  	_ =	shalt  }
0x50: {  	_ =	shalt  }
0x51: {  	_ =	shalt  }
0x52: {  	_ =	shalt  }
0x53: {  	_ =	shalt  }
0x54: {  	_ =	shalt  }
0x55: {  	_ =	shalt  }
0x56: {  	_ =	shalt  }
0x57: {  	_ =	shalt  }
0x58: {  	_ =	shalt  }
0x59: {  	_ =	shalt  }
0x5a: {  	_ =	shalt  }
0x5b: {  	_ =	shalt  }
0x5c: {  	_ =	shalt  }
0x5d: {  	_ =	shalt  }
0x5e: {  	_ =	shalt  }
0x5f: {  	_ =	shalt  }
0x60: {  	_ =	shalt  }
0x61: {  	_ =	shalt  }
0x62: {  	_ =	shalt  }
0x63: {  	_ =	shalt  }
0x64: {  	_ =	shalt  }
0x65: {  	_ =	shalt  }
0x66: {  	_ =	shalt  }
0x67: {  	_ =	shalt  }
0x68: {  	_ =	shalt  }
0x69: {  	_ =	shalt  }
0x6a: {  	_ =	shalt  }
0x6b: {  	_ =	shalt  }
0x6c: {  	_ =	shalt  }
0x6d: {  	_ =	shalt  }
0x6e: {  	_ =	shalt  }
0x6f: {  	_ =	shalt  }
0x70: {  	_ =	shalt  }
0x71: {  	_ =	shalt  }
0x72: {  	_ =	shalt  }
0x73: {  	_ =	shalt  }
0x74: {  	_ =	shalt  }
0x75: {  	_ =	shalt  }
0x76: {  	_ =	shalt  }
0x77: {  	_ =	shalt  }
0x78: {  	_ =	shalt  }
0x79: {  	_ =	shalt  }
0x7a: {  	_ =	shalt  }
0x7b: {  	_ =	shalt  }
0x7c: {  	_ =	shalt  }
0x7d: {  	_ =	shalt  }
0x7e: {  	_ =	shalt  }
0x7f: {  	_ =	shalt  }
0x80: {  	_ =	shalt  }
0x81: {  	_ =	shalt  }
0x82: {  	_ =	shalt  }
0x83: {  	_ =	shalt  }
0x84: {  	_ =	shalt  }
0x85: {  	_ =	shalt  }
0x86: {  	_ =	shalt  }
0x87: {  	_ =	shalt  }
.Lfunc_end0:
.L_simem_size_0:
called_computation_lowered:
.L_overlay_start_0:
0x88: {  	s2 =	sld [smem:$0x3FD9]  }
0x89: {  	s3 =	sld [smem:$0x3FFE];
	_ =	sdelay $0x1  }
0x8a: {  	s1 =	srdreg.scid  }
0x8b: {  	s0 =	sand.u32 $0x1, s1  }
0x8c: {  	s15 =	sshll.u32 s0, $0xA;
	s2 =	sadd.s32 s3, s2  }
0x8d: {  	s2 =	sadd.s32 s2, s15  }
0x8e: {  	[smem:$0x3FC2] =	sst s2  }
0x8f: {  	_ = 	snop  }
0x90: {  	s2 =	sld [smem:$0x3FC9]  }
0x91: {  	s16 =	sld [smem:$0x3FD0]  }
0x92: {  	s4 =	sld [smem:$0x3FC8]  }
0x93: {  	s5 =	sld [smem:$0x3FC7]  }
0x94: {  	s7 =	simm.s32 $0xA;
	s8 =	simm.s32 $0x10;
	s6 =	sld [smem:$0x3FC6]  }
0x95: {  	[smem:s8], [sflag:s7] =	dma.local [hbm:s16], $0x1  }
0x96: {  	_ =	swait.eq [sflag:s7], $0x1  }
0x97: {  	[sflag:s7] =	ssyncset.done $0x0  }
0x98: {  	s17 =	sld [smem:$0x10];
	[sflag:s7] =	ssyncadd.s32 $0xFFFFFFFF  }
0x99: {  	s18 =	sld [smem:$0x11];
	(tm) =	ssettm $0x1  }
0x9a: {  	s19 =	sld [smem:$0x3FFB];
	_ =	sdelay $0x3  }
0x9b: {  	_ =	strace s19  }
0x9c: {  	s8 =	sld [smem:$0x3FFC];
	_ =	sdelay $0x3  }
0x9d: {  	_ =	strace s8  }
0x9e: {  	s8 =	sld [smem:$0x3FFD];
	_ =	sdelay $0x3  }
0x9f: {  	_ =	strace s8  }
0xa0: {  	_ =	strace $0x8FFFFFFF  }
0xa1: {  	s20 =	sld [smem:$0x3FDB];
	_ =	sdelay $0x1  }
0xa2: {  	s9 =	simm.s32 $_scs_section_size  }
0xa3: {  	s10 =	simm.s32 $_size__tile_overlayer_lowered;
	s11 =	simm.s32 $_tile_overlayer_lowered  }
0xa4: {  	s23 =	simm.s32 $0x1BFF;
	s22 =	sshll.u32 s11, $0x1;
	s8 =	sadd.s32 s9, s20  }
0xa5: {  	s12 =	simm.s32 $0x0;
	s21 =	sshll.u32 s10, $0x1;
	s10 =	sadd.s32 s22, s8  }
0xa6: {  	[timem:s12], [sflag:s23] =	dma.local [hbm:s10], s21  }
0xa7: {  	_ =	swait.ge [sflag:s23], s21  }
0xa8: {  	s9 =	ssub.s32 $0x0, s21;
	[sflag:s23] =	ssyncset.done $0x0  }
0xa9: {  	[sflag:s23] =	ssyncadd.s32 s9;
	_ =	sdelay $0x1  }
0xaa: {  	s24 =	simm.s32 $0x1B8B  }
0xab: {  	_ =	swait.ge [sflag:s24], $0x1  }
0xac: {  	[sflag:s24] =	ssyncset.done $0x0  }
0xad: {  	s25 =	simm.s32 $0x1B8E;
	[sflag:s24] =	ssyncadd.s32 $0xFFFFFFFF  }
0xae: {  	s26 =	simm.s32 $execute0_lowered;
	[smem:$0x3FD2] =	sst s25  }
0xaf: {  	s9 =	sshll.u32 s26, $0x1;
	_ =	strace $0x80000046;
	[dreg:$0x1] =	wrdreg $0xFFFFFFFF  }
0xb0: {  	s28 =	simm.s32 $_size_execute0_lowered;
	s8 =	sadd.s32 s8, s9;
	[dreg:$0x0] =	wrdreg $0x0  }
0xb1: {  	s9 =	sshll.u32 s28, $0x1;
	[dreg:$0x2] =	wrdreg s8  }
0xb2: {  	[dreg:$0x3] =	wrdreg s9  }
0xb3: {  	[dreg:$0x4] =	wrdreg $0xC0  }
0xb4: {  	_ =	task [dreg:s12], $0x5FFFF  }
0xb5: {  	[dreg:$0x1] =	wrdreg $0xFFFFFFFF  }
0xb6: {  	[dreg:$0x0] =	wrdreg $0x60  }
0xb7: {  	[dreg:$0x2] =	wrdreg s5  }
0xb8: {  	[dreg:$0x3] =	wrdreg s2  }
0xb9: {  	[dreg:$0x4] =	wrdreg s6  }
0xba: {  	[dreg:$0x5] =	wrdreg s4  }
0xbb: {  	[dreg:$0x6] =	wrdreg s17  }
0xbc: {  	[dreg:$0x7] =	wrdreg s18  }
0xbd: {  	[dreg:$0x8] =	wrdreg $0x9  }
0xbe: {  	_ =	task.clear_ibuf [dreg:s12], $0x9FFFF;
	_ =	strace $0x90000046  }
0xbf: {  	s29 =	simm.s32 $0x9;
	_ =	strace $0x80000048  }
0xc0: {  	_ =	swait.ge [sflag:s29], $0x1  }
0xc1: {  	[sflag:s29] =	ssyncadd.s32 $0xFFFFFFFF  }
0xc2: {  	_ =	strace $0x90000048  }
0xc3: {  	_ =	sfence  }
0xc4: {  	s30 =	sld [smem:$0x0];
	_ =	sdelay $0x2  }
0xc5: {  	s31 =	sshll.u32 s1, $0xD;
	s1 =	sshrl.u32 s1, $0x2  }
0xc6: {  	s3 =	sand.u32 $0x4000, s31;
	s1 =	sadd.s32 s1, s30  }
0xc7: {  	s0 =	sor.u32 s3, s0;
	s1 =	sshll.u32 s1, $0x11  }
0xc8: {  	s0 =	sor.u32 s1, s0  }
0xc9: {  	s0 =	sadd.s32 $0x8F2B, s0  }
0xca: {  	[sflag:s0] =	ssyncadd.remote.s32 $0x1  }
0xcb: {  	_ =	sfence.sel $0xFFFF  }
0xcc: {  	[dreg:$0x0] =	wrdreg $0xFFFFFFFF;
	(pc) =	sbr.abs _section_cstart, $3  }
0xcd: {  	[dreg:$0x1] =	wrdreg $0xFFFFFFFF  }
0xce: {  	_ =	task.clear_ibuf [dreg:s12], $0x2FFFF;
	_ =	strace $0x9FFFFFFF  }
0xcf: {  	(tm) =	ssettm $0x7FFFFFFF  }
tec
execute0_lowered:
.L_overlay_start_1:
0x0: {  	(tag) =	ssettag $0x1  }
0x1: {  	s0 =	rddreg [dreg:$0x0]  }
0x2: {  	s5 =	rddreg [dreg:$0x1]  }
0x3: {  	s2 =	rddreg [dreg:$0x2]  }
0x4: {  	s7 =	rddreg [dreg:$0x3];
	s3 =	srdreg.scid  }
0x5: {  	s25 =	rddreg [dreg:$0x4];
	s1 =	stileid.u32;
	s26 =	sand.u32 $0x1, s3  }
0x6: {  	s20 =	rddreg [dreg:$0x5];
	s6 =	sshll.u32 s1, $0xA;
	s8 =	sshll.u32 s26, $0x9  }
0x7: {  	s4 =	simm.s32 $0x0;
	s3 =	rddreg [dreg:$0x6];
	s21 =	sor.u32 s8, s6  }
0x8: {  	[smem:$0x7FF] =	sst s4;
	s8 =	sshrl.u32 s21, $0x3  }
0x9: {  	_ =	strace $0x80000047;
	s6 =	sadd.s32 s5, s8;
	s5 =	simm.s32 $0x3  }
0xa: {  	[tilespmem:s4], [sflag:$0x3] =	stream.linear.gather [hbm4b:s6+s4], $0x200, $0x38;
	[tilespmem:$0x18400] =	vst v63  }
0xb: {  	_ =	swait.ge [sflag:s5], $0x200  }
0xc: {  	[sflag:s5] =	ssyncset.done $0x0  }
0xd: {  	s7 =	sadd.s32 s7, s8;
	s8 =	simm.s32 $0x200;
	[sflag:s5] =	ssyncadd.s32 $0xFFFFFE00  }
0xe: {  	[tilespmem:s8], [sflag:$0x3] =	stream.linear.gather [hbm4b:s7+s4], $0x200, $0x38;
	[tilespmem:$0x18400] =	vst v63  }
0xf: {  	_ =	swait.ge [sflag:s5], $0x200  }
0x10: {  	[sflag:s5] =	ssyncset.done $0x0  }
0x11: {  	s9 =	simm.s32 $0x80;
	s10 =	simm.s32 $0x400;
	[sflag:s5] =	ssyncadd.s32 $0xFFFFFE00  }
0x12: {  	[tilespmem:s10], [sflag:$0x1] =	stream.indirect.gather [hbm4b:s0+s9], $0x80, s4, s9, $0xb8;
	[tilespmem:$0x18400] =	vst v63  }
0x13: {  	s11 =	simm.s32 $0x4400  }
0x14: {  	[tilespmem:s11], [sflag:$0x1] =	stream.indirect.gather [hbm4b:s0+s9], $0x80, s9, s9, $0xb8;
	[tilespmem:$0x18400] =	vst v63  }
0x15: {  	s12 =	simm.s32 $0x100;
	s13 =	simm.s32 $0x8400  }
0x16: {  	[tilespmem:s13], [sflag:$0x1] =	stream.indirect.gather [hbm4b:s0+s9], $0x80, s12, s9, $0xb8;
	[tilespmem:$0x18400] =	vst v63  }
0x17: {  	s14 =	simm.s32 $0x180;
	s15 =	simm.s32 $0xC400  }
0x18: {  	[tilespmem:s15], [sflag:$0x1] =	stream.indirect.gather [hbm4b:s0+s9], $0x80, s14, s9, $0xb8;
	[tilespmem:$0x18400] =	vst v63  }
0x19: {  	s16 =	simm.s32 $0x10400  }
0x1a: {  	[tilespmem:s16], [sflag:$0x2] =	stream.indirect.gather [hbm4b:s2+s9], $0x80, s8, s9, $0xb8;
	[tilespmem:$0x18400] =	vst v63  }
0x1b: {  	s17 =	simm.s32 $0x280;
	s18 =	simm.s32 $0x14400;
	s19 =	simm.s32 $0x2  }
0x1c: {  	[tilespmem:s18], [sflag:$0x2] =	stream.indirect.gather [hbm4b:s2+s9], $0x80, s17, s9, $0xb8;
	[tilespmem:$0x18400] =	vst v63  }
0x1d: {  	_ =	swait.ge [sflag:s19], $0x4000  }
0x1e: {  	[sflag:s19] =	ssyncset.done $0x0  }
0x1f: {  	[sflag:s19] =	ssyncadd.s32 $0xFFFFC000  }
0x20: {  	_ =	swait.ge [sflag:s19], $0x4000  }
0x21: {  	s28 =	sshll.u32 s21, $0x4;
	[sflag:s19] =	ssyncset.done $0x0  }
0x22: {  	s20 =	sadd.s32 s20, s28;
	[sflag:s19] =	ssyncadd.s32 $0xFFFFC000  }
0x23: {  	[hbm4b:s20+s4] =	stream.linear.scatter [tilespmem:s16], [sflag:$0x3], $0x8000, $0x38;
	[tilespmem:$0x18400] =	vst v63  }
0x24: {  	_ =	swait.ge [sflag:s5], $0x8000  }
0x25: {  	[sflag:s5] =	ssyncset.done $0x0  }
0x26: {  	s21 =	simm.s32 $0x300;
	[sflag:s5] =	ssyncadd.s32 $0xFFFF8000  }
0x27: {  	[tilespmem:s16], [sflag:$0x2] =	stream.indirect.gather [hbm4b:s2+s9], $0x80, s21, s9, $0xb8;
	[tilespmem:$0x18400] =	vst v63  }
0x28: {  	s22 =	simm.s32 $0x380  }
0x29: {  	[tilespmem:s18], [sflag:$0x2] =	stream.indirect.gather [hbm4b:s2+s9], $0x80, s22, s9, $0xb8;
	[tilespmem:$0x18400] =	vst v63  }
0x2a: {  	_ =	swait.ge [sflag:s19], $0x4000  }
0x2b: {  	[sflag:s19] =	ssyncset.done $0x0  }
0x2c: {  	[sflag:s19] =	ssyncadd.s32 $0xFFFFC000  }
0x2d: {  	_ =	swait.ge [sflag:s19], $0x4000  }
0x2e: {  	[sflag:s19] =	ssyncset.done $0x0  }
0x2f: {  	s23 =	sadd.s32 $0x1000, s20;
	[sflag:s19] =	ssyncadd.s32 $0xFFFFC000  }
0x30: {  	[hbm4b:s23+s4] =	stream.linear.scatter [tilespmem:s16], [sflag:$0x3], $0x8000, $0x38;
	[tilespmem:$0x18400] =	vst v63  }
0x31: {  	_ =	swait.ge [sflag:s5], $0x8000  }
0x32: {  	[sflag:s5] =	ssyncset.done $0x0  }
0x33: {  	s24 =	simm.s32 $0x1;
	[sflag:s5] =	ssyncadd.s32 $0xFFFF8000  }
0x34: {  	_ =	swait.ge [sflag:s24], $0x4000  }
0x35: {  	[sflag:s24] =	ssyncset.done $0x0  }
0x36: {  	[sflag:s24] =	ssyncadd.s32 $0xFFFFC000  }
0x37: {  	_ =	swait.ge [sflag:s24], $0x4000  }
0x38: {  	[sflag:s24] =	ssyncset.done $0x0  }
0x39: {  	s26 =	ssub.s32 $0x2, s26;
	[sflag:s24] =	ssyncadd.s32 $0xFFFFC000  }
0x3a: {  	s29 =	sshrl.u32 s26, $0x1;
	_ =	swait.ge [sflag:s24], $0x4000  }
0x3b: {  	s26 =	ssub.s32 s26, s29;
	[sflag:s24] =	ssyncset.done $0x0  }
0x3c: {  	s26 =	smax.u32 s26, $0x1;
	[sflag:s24] =	ssyncadd.s32 $0xFFFFC000  }
0x3d: {  	p0 =	sne.s32 s26, $0x1;
	_ =	swait.ge [sflag:s24], $0x4000  }
.Ltmp0:
0x3e: {  	[sflag:s24] =	ssyncset.done $0x0;
	(pc) =	sbr.rel @!p0 .LBB2_2-.Ltmp0, $4  }
0x3f: {  	s25 =	sadd.s32 s25, s28;
	[sflag:s24] =	ssyncadd.s32 $0xFFFFC000  }
0x40: {  	[hbm4b:s25+s4] =	stream.linear.scatter [tilespmem:s10], [sflag:$0x3], $0x10000, $0x38;
	[tilespmem:$0x18400] =	vst v63  }
0x41: {  	_ =	swait.ge [sflag:s5], $0x10000  }
0x42: {  	s26 =	sadd.s32 $0xFFFFFFFF, s26;
	[sflag:s5] =	ssyncset.done $0x0  }
.LBB2_1:
0x43: {  	p0 =	sne.s32 s26, $0x1;
	s26 =	sadd.s32 $0xFFFFFFFF, s26;
	[sflag:s5] =	ssyncadd.s32 $0xFFFF0000  }
0x44: {  	[tilespmem:s4], [sflag:$0x3] =	stream.linear.gather [hbm4b:s6+s4], $0x200, $0x38;
	[tilespmem:$0x18400] =	vst v63  }
0x45: {  	_ =	swait.ge [sflag:s5], $0x200  }
0x46: {  	[sflag:s5] =	ssyncset.done $0x0  }
0x47: {  	[sflag:s5] =	ssyncadd.s32 $0xFFFFFE00  }
0x48: {  	[tilespmem:s8], [sflag:$0x3] =	stream.linear.gather [hbm4b:s7+s4], $0x200, $0x38;
	[tilespmem:$0x18400] =	vst v63  }
0x49: {  	_ =	swait.ge [sflag:s5], $0x200  }
0x4a: {  	[sflag:s5] =	ssyncset.done $0x0  }
0x4b: {  	[sflag:s5] =	ssyncadd.s32 $0xFFFFFE00  }
0x4c: {  	[tilespmem:s10], [sflag:$0x1] =	stream.indirect.gather [hbm4b:s0+s9], $0x80, s4, s9, $0xb8;
	[tilespmem:$0x18400] =	vst v63  }
0x4d: {  	_ = 	snop  }
0x4e: {  	[tilespmem:s11], [sflag:$0x1] =	stream.indirect.gather [hbm4b:s0+s9], $0x80, s9, s9, $0xb8;
	[tilespmem:$0x18400] =	vst v63  }
0x4f: {  	_ = 	snop  }
0x50: {  	[tilespmem:s13], [sflag:$0x1] =	stream.indirect.gather [hbm4b:s0+s9], $0x80, s12, s9, $0xb8;
	[tilespmem:$0x18400] =	vst v63  }
0x51: {  	_ = 	snop  }
0x52: {  	[tilespmem:s15], [sflag:$0x1] =	stream.indirect.gather [hbm4b:s0+s9], $0x80, s14, s9, $0xb8;
	[tilespmem:$0x18400] =	vst v63  }
0x53: {  	_ = 	snop  }
0x54: {  	[tilespmem:s16], [sflag:$0x2] =	stream.indirect.gather [hbm4b:s2+s9], $0x80, s8, s9, $0xb8;
	[tilespmem:$0x18400] =	vst v63  }
0x55: {  	_ = 	snop  }
0x56: {  	[tilespmem:s18], [sflag:$0x2] =	stream.indirect.gather [hbm4b:s2+s9], $0x80, s17, s9, $0xb8;
	[tilespmem:$0x18400] =	vst v63  }
0x57: {  	_ =	swait.ge [sflag:s19], $0x4000  }
0x58: {  	[sflag:s19] =	ssyncset.done $0x0  }
0x59: {  	[sflag:s19] =	ssyncadd.s32 $0xFFFFC000  }
0x5a: {  	_ =	swait.ge [sflag:s19], $0x4000  }
0x5b: {  	[sflag:s19] =	ssyncset.done $0x0  }
0x5c: {  	[sflag:s19] =	ssyncadd.s32 $0xFFFFC000  }
0x5d: {  	[hbm4b:s20+s4] =	stream.linear.scatter [tilespmem:s16], [sflag:$0x3], $0x8000, $0x38;
	[tilespmem:$0x18400] =	vst v63  }
0x5e: {  	_ =	swait.ge [sflag:s5], $0x8000  }
0x5f: {  	[sflag:s5] =	ssyncset.done $0x0  }
0x60: {  	[sflag:s5] =	ssyncadd.s32 $0xFFFF8000  }
0x61: {  	[tilespmem:s16], [sflag:$0x2] =	stream.indirect.gather [hbm4b:s2+s9], $0x80, s21, s9, $0xb8;
	[tilespmem:$0x18400] =	vst v63  }
0x62: {  	_ = 	snop  }
0x63: {  	[tilespmem:s18], [sflag:$0x2] =	stream.indirect.gather [hbm4b:s2+s9], $0x80, s22, s9, $0xb8;
	[tilespmem:$0x18400] =	vst v63  }
0x64: {  	_ =	swait.ge [sflag:s19], $0x4000  }
0x65: {  	[sflag:s19] =	ssyncset.done $0x0  }
0x66: {  	[sflag:s19] =	ssyncadd.s32 $0xFFFFC000  }
0x67: {  	_ =	swait.ge [sflag:s19], $0x4000  }
0x68: {  	[sflag:s19] =	ssyncset.done $0x0  }
0x69: {  	[sflag:s19] =	ssyncadd.s32 $0xFFFFC000  }
0x6a: {  	[hbm4b:s23+s4] =	stream.linear.scatter [tilespmem:s16], [sflag:$0x3], $0x8000, $0x38;
	[tilespmem:$0x18400] =	vst v63  }
0x6b: {  	_ =	swait.ge [sflag:s5], $0x8000  }
0x6c: {  	[sflag:s5] =	ssyncset.done $0x0  }
0x6d: {  	[sflag:s5] =	ssyncadd.s32 $0xFFFF8000  }
0x6e: {  	_ =	swait.ge [sflag:s24], $0x4000  }
0x6f: {  	[sflag:s24] =	ssyncset.done $0x0  }
0x70: {  	[sflag:s24] =	ssyncadd.s32 $0xFFFFC000  }
0x71: {  	_ =	swait.ge [sflag:s24], $0x4000  }
0x72: {  	[sflag:s24] =	ssyncset.done $0x0  }
0x73: {  	[sflag:s24] =	ssyncadd.s32 $0xFFFFC000  }
0x74: {  	_ =	swait.ge [sflag:s24], $0x4000  }
0x75: {  	[sflag:s24] =	ssyncset.done $0x0  }
0x76: {  	[sflag:s24] =	ssyncadd.s32 $0xFFFFC000  }
0x77: {  	_ =	swait.ge [sflag:s24], $0x4000  }
.Ltmp1:
0x78: {  	[sflag:s24] =	ssyncset.done $0x0;
	(pc) =	sbr.rel @p0 .LBB2_1-.Ltmp1, $4  }
0x79: {  	[sflag:s24] =	ssyncadd.s32 $0xFFFFC000  }
0x7a: {  	[hbm4b:s25+s4] =	stream.linear.scatter [tilespmem:s10], [sflag:$0x3], $0x10000, $0x38;
	[tilespmem:$0x18400] =	vst v63  }
0x7b: {  	_ =	swait.ge [sflag:s5], $0x10000  }
0x7c: {  	[sflag:s5] =	ssyncset.done $0x0  }
.LBB2_2:
0x7d: {  	[sflag:s5] =	ssyncadd.s32 $0xFFFF0000  }
0x7e: {  	_ =	sfence.sel $0x180000  }
0x7f: {  	[bflag:$0x0] =	sbarrier.arrive $0xFFFF  }
0x80: {  	p0 =	sne.s32 s1, $0x0;
	_ =	strace $0x90000047  }
0x81: {  	s0 =	sadd.s32 @!p0 $0x100000, s3;
	[bflag:$0x2] =	sbarrier.arrive $0xFFFF  }
0x82: {  	[sflag:s0] =	ssyncadd.tile.s32 @!p0 $0x1;
	_ =	shalt  }
.Lfunc_end2:
_tile_overlayer_lowered:
.L_overlay_start_2:
0x83: {  	(tag) =	ssettag $0x2  }
0x84: {  	s0 =	rddreg [dreg:$0x0];
	s2 =	stileid.u32  }
0x85: {  	s1 =	rddreg [dreg:$0x1];
	p0 =	sne.s32 s2, $0x0  }
0x86: {  	s3 =	rddreg [dreg:$0x2];
	[bflag:$0x3] =	sbarrier.arrive $0xFFFF;
	s2 =	simm.s32 @!p0 $0x1C03  }
0x87: {  	[timem:s3], [sflag:s2] =	dma.local @!p0 [hbm:s0], s1  }
0x88: {  	s0 =	simm.s32 @!p0 $0x3  }
0x89: {  	_ =	swait.ge @!p0 [sflag:s0], s1  }
0x8a: {  	s1 =	ssub.s32 @!p0 $0x0, s1;
	[sflag:s0] =	ssyncset.done @!p0 $0x0  }
0x8b: {  	[sflag:s0] =	ssyncadd.s32 @!p0 s1  }
0x8c: {  	[bflag:$0x3] =	sbarrier.arrive $0xFFFF  }
0x8d: {  	_ =	shalt  }

</sc_bundles>
